<compile_context>
chip_gen: v7x
topology: tpu7x:2x2x1
jax: 0.10.2.dev20260603
libtpu: 0.0.44.dev20260713+nightly
codegen_flags: <defaults>
</compile_context>

<pallas_src>
import functools

import jax
import jax.numpy as jnp
from jax import lax
from jax.experimental import pallas as pl
from jax.experimental.pallas import tpu as pltpu
from jax.experimental.pallas import tpu_sc as plsc

NUM_CONT = 13
NUM_CAT = 26
NUM_FEAT = NUM_CONT + NUM_CAT
NUM_CLUSTERS = 256
VOCAB = 100000
DIM = 64
BATCH = 4096

_INFO = plsc.get_sparse_core_info()
NC = _INFO.num_cores
NS = _INFO.num_subcores
NW = NC * NS
NB = BATCH // NW
LANES = 16
ROWV = DIM // LANES


def _w_body(r_ref, l_ref, h_ref, e_ref, o_ref):
    r = r_ref[...][:, :, None]
    lv = l_ref[...][:, None, :]
    hv = h_ref[...][:, None, :]
    o_ref[...] = r * lv + (1.0 - r) * hv + e_ref[...]


def _make_w(r, l, h, E):
    return pl.pallas_call(
        _w_body,
        out_shape=jax.ShapeDtypeStruct((NUM_CONT, NUM_CLUSTERS, DIM), jnp.float32),
    )(r, l, h, E)


_MESH = plsc.VectorSubcoreMesh(core_axis_name="c", subcore_axis_name="s")


@functools.partial(
    pl.kernel,
    out_type=jax.ShapeDtypeStruct((BATCH, NUM_FEAT, DIM), jnp.float32),
    mesh=_MESH,
    scratch_types=[
        pltpu.VMEM((NB,), jnp.int32),
        pltpu.VMEM((NB, DIM), jnp.float32),
        pltpu.VMEM((NB,), jnp.int32),
        pltpu.VMEM((NB, LANES), jnp.float32),
        pltpu.VMEM((DIM,), jnp.float32),
        pltpu.VMEM((DIM,), jnp.float32),
        pltpu.SemaphoreType.DMA,
    ],
    compiler_params=pltpu.CompilerParams(use_tc_tiling_on_sc=False),
)
def _sc_embed(tab_hbm, w_hbm, batch_t_hbm, mask_t_hbm, zo_hbm, me_hbm, pos_hbm,
              out_hbm, idx_v, rows_v, mask_v, m_v, me_v, pos_v, sem):
    wid = lax.axis_index("s") * NC + lax.axis_index("c")
    b0 = wid * NB
    pltpu.sync_copy(me_hbm, me_v)
    me_regs = [me_v[pl.ds(c * LANES, LANES)] for c in range(ROWV)]

    def task(f, _):
        is_cont = f < NUM_CONT
        off = jnp.where(is_cont, f * NUM_CLUSTERS, (f - NUM_CONT) * VOCAB)
        pltpu.sync_copy(batch_t_hbm.at[f, pl.ds(b0, NB)], idx_v)
        pltpu.sync_copy(mask_t_hbm.at[f, pl.ds(b0, NB)], mask_v)
        pltpu.sync_copy(pos_hbm.at[f], pos_v)

        def adj(i, _):
            idx_v[pl.ds(i * LANES, LANES)] = idx_v[pl.ds(i * LANES, LANES)] + off
            return 0
        lax.fori_loop(0, NB // LANES, adj, 0)

        @pl.when(is_cont)
        def _():
            pltpu.async_copy(w_hbm.at[idx_v], rows_v, sem).wait()

        @pl.when(jnp.logical_not(is_cont))
        def _():
            pltpu.async_copy(tab_hbm.at[idx_v], rows_v, sem).wait()

        pltpu.async_copy(zo_hbm.at[mask_v], m_v, sem).wait()

        pos_regs = [pos_v[pl.ds(c * LANES, LANES)] for c in range(ROWV)]

        def fixup(rr, _):
            m = m_v[rr, pl.ds(0, LANES)]
            for c in range(ROWV):
                v = rows_v[rr, pl.ds(c * LANES, LANES)]
                rows_v[rr, pl.ds(c * LANES, LANES)] = (
                    v + pos_regs[c] + m * (me_regs[c] - v))
            return 0
        lax.fori_loop(0, NB, fixup, 0)

        pltpu.sync_copy(rows_v, out_hbm.at[pl.ds(b0, NB), f])
        return 0

    lax.fori_loop(0, NUM_FEAT, task, 0)


def kernel(batch, mask, E, l, h, r, tables, MaskEmbed, PosEmbed):
    w_flat = _make_w(r, l, h, E).reshape(NUM_CONT * NUM_CLUSTERS, DIM)
    tables_flat = tables.reshape(NUM_CAT * VOCAB, DIM)
    batch_t = batch.astype(jnp.int32).T
    mask_t = mask.astype(jnp.int32).T
    zero_one = jnp.stack([jnp.zeros((LANES,), jnp.float32),
                          jnp.ones((LANES,), jnp.float32)])
    return _sc_embed(tables_flat, w_flat, batch_t, mask_t, zero_one,
                     MaskEmbed, PosEmbed)

# --- scband reference (transcript-rebuilt; emitter-appended) ---
"""Pipeline reference for scband-embedding-5884105196199 (READ-ONLY COPY).

The authoritative reference and input builder live on the scoring server;
editing this copy changes nothing except your own understanding.
"""

import jax, jax.numpy as jnp
import numpy as np

NUM_CONT = 13
NUM_CAT = 26
NUM_CLUSTERS = 256
VOCAB = 100000
DIM = 64
BATCH = 4096


def setup_inputs(seed: int = 0) -> dict:
    key = jax.random.key(seed)
    ks = jax.random.split(key, 8)
    # batch: first 13 cols index into 256 cluster centers, last 26 cols index into
    # categorical vocabs (values < 256 are valid for vocab=100000 as well)
    batch = jax.random.randint(ks[0], (BATCH, NUM_CONT + NUM_CAT), 0, NUM_CLUSTERS, dtype=jnp.int64 if jax.config.jax_enable_x64 else jnp.int32)
    mask = jax.random.randint(ks[1], (BATCH, NUM_CONT + NUM_CAT), 0, 2).astype(bool)
    # OrderedEmbedding params (stacked over the 13 continuous features)
    E = jnp.zeros((NUM_CONT, NUM_CLUSTERS, DIM), dtype=jnp.float32)
    l = jax.random.normal(ks[2], (NUM_CONT, DIM), dtype=jnp.float32) * 0.05
    h = jax.random.normal(ks[3], (NUM_CONT, DIM), dtype=jnp.float32) * 0.05
    occ = jnp.sort(jax.random.uniform(ks[4], (NUM_CONT, NUM_CLUSTERS), dtype=jnp.float32), axis=1)
    r = (occ - occ[:, :1]) / (occ[:, -1:] - occ[:, :1])  # buffer, in [0, 1]
    # Categorical embedding tables: 26 x 100000 x 64
    tables = jax.random.normal(ks[5], (NUM_CAT, VOCAB, DIM), dtype=jnp.float32) * 0.05
    MaskEmbed = jax.random.normal(ks[6], (DIM,), dtype=jnp.float32) * 0.05
    PosEmbed = jax.random.normal(ks[7], (NUM_CONT + NUM_CAT, DIM), dtype=jnp.float32) * 0.01
    return {
        'batch': batch, 'mask': mask,
        'E': E, 'l': l, 'h': h, 'r': r,
        'tables': tables, 'MaskEmbed': MaskEmbed, 'PosEmbed': PosEmbed,
    }


def reference(batch, mask, E, l, h, r, tables, MaskEmbed, PosEmbed):
    # OrderedEmbedding.weight for every feature i:
    #   W[i, k] = r[i, k] * l[i] + (1 - r[i, k]) * h[i] + E[i, k]
    W = r[..., None] * l[:, None, :] + (1.0 - r[..., None]) * h[:, None, :] + E  # [13, 256, 64]
    cont_idx = batch[:, :NUM_CONT]                      # [B, 13]
    feat = jnp.arange(NUM_CONT)[None, :]                # [1, 13]
    continuous_embedded = W[feat, cont_idx]             # gather -> [B, 13, 64]
    cat_idx = batch[:, NUM_CONT:]                       # [B, 26]
    catf = jnp.arange(NUM_CAT)[None, :]                 # [1, 26]
    categorical_embedded = tables[catf, cat_idx]        # gather -> [B, 26, 64]
    embedded = jnp.concatenate([continuous_embedded, categorical_embedded], axis=1)  # [B, 39, 64]
    # embedded[mask] = MaskEmbed
    embedded = jnp.where(mask[..., None], MaskEmbed[None, None, :], embedded)
    # embedded += PosEmbed.weight
    embedded = embedded + PosEmbed[None, :, :]
    return embedded

if __name__ == "__main__":
    import jax
    _d = setup_inputs()
    print(jax.jit(kernel)(*tuple(_d.values())))

</pallas_src>

<mosaic_0001>
#map = affine_map<(d0, d1) -> (0, 0)>
#map1 = affine_map<(d0, d1) -> (0)>
#map2 = affine_map<(d0, d1) -> (0, 0, 0)>
module attributes {stable_mosaic.version = 14 : i64} {
  func.func @_sc_embed(%arg0: i32, %arg1: i32, %arg2: memref<2600000x64xf32, #tpu.memory_space<hbm>>, %arg3: memref<3328x64xf32, #tpu.memory_space<hbm>>, %arg4: memref<39x4096xi32, #tpu.memory_space<hbm>>, %arg5: memref<39x4096xi32, #tpu.memory_space<hbm>>, %arg6: memref<2x16xf32, #tpu.memory_space<hbm>>, %arg7: memref<64xf32, #tpu.memory_space<hbm>>, %arg8: memref<39x64xf32, #tpu.memory_space<hbm>>, %arg9: memref<4096x39x64xf32, #tpu.memory_space<hbm>>, %arg10: memref<128xi32, #tpu.memory_space<vmem>>, %arg11: memref<128x64xf32, #tpu.memory_space<vmem>>, %arg12: memref<128xi32, #tpu.memory_space<vmem>>, %arg13: memref<128x16xf32, #tpu.memory_space<vmem>>, %arg14: memref<64xf32, #tpu.memory_space<vmem>>, %arg15: memref<64xf32, #tpu.memory_space<vmem>>, %arg16: memref<!tpu.dma_semaphore, #tpu.memory_space<semaphore_mem>>) attributes {dimension_semantics = [#tpu.dimension_semantics<core_parallel>, #tpu.dimension_semantics<subcore_parallel>], iteration_bounds = array<i64: 2, 16>, scalar_prefetch = 0 : i64, scratch_operands = 7 : i64, tpu.core_type = #tpu.core_type<sc_vector_subcore>, window_params = [{transform_indices = #map}, {transform_indices = #map}, {transform_indices = #map}, {transform_indices = #map}, {transform_indices = #map}, {transform_indices = #map1}, {transform_indices = #map}, {transform_indices = #map2}]} {
    %mul3A = arith.constant 2 : i32
    %mul3A_0 = arith.muli %arg1, %mul3A : i32
    %add3A = arith.addi %mul3A_0, %arg0 : i32
    %mul3A_1 = arith.constant 128 : i32
    %mul3A_2 = arith.muli %add3A, %mul3A_1 : i32
    "tpu.region"() ({
      %run_scoped3A = tpu.sem_alloc : memref<!tpu.dma_semaphore, #tpu.memory_space<semaphore_mem>>
      tpu.enqueue_dma source(%arg7 : memref<64xf32, #tpu.memory_space<hbm>>) target(%arg14 : memref<64xf32, #tpu.memory_space<vmem>>) target_semaphore(%run_scoped3A : memref<!tpu.dma_semaphore, #tpu.memory_space<semaphore_mem>>)
      tpu.wait_dma2 semaphore(%run_scoped3A : memref<!tpu.dma_semaphore, #tpu.memory_space<semaphore_mem>>) src(%arg7 : memref<64xf32, #tpu.memory_space<hbm>>) dst(%arg14 : memref<64xf32, #tpu.memory_space<vmem>>)
      tpu.yield
    }) : () -> ()
    %get3A = arith.constant 0 : index
    %get3A_3 = tpu.vector_load %arg14[%get3A] {strides = array<i32>} : memref<64xf32, #tpu.memory_space<vmem>>, vector<16xf32>,
    %get3A_4 = vector.shape_cast %get3A_3 : vector<16xf32> to vector<16xf32>
    %get3A_5 = arith.constant 16 : index
    %get3A_6 = tpu.vector_load %arg14[%get3A_5] {strides = array<i32>} : memref<64xf32, #tpu.memory_space<vmem>>, vector<16xf32>,
    %get3A_7 = vector.shape_cast %get3A_6 : vector<16xf32> to vector<16xf32>
    %get3A_8 = arith.constant 32 : index
    %get3A_9 = tpu.vector_load %arg14[%get3A_8] {strides = array<i32>} : memref<64xf32, #tpu.memory_space<vmem>>, vector<16xf32>,
    %get3A_10 = vector.shape_cast %get3A_9 : vector<16xf32> to vector<16xf32>
    %get3A_11 = arith.constant 48 : index
    %get3A_12 = tpu.vector_load %arg14[%get3A_11] {strides = array<i32>} : memref<64xf32, #tpu.memory_space<vmem>>, vector<16xf32>,
    %get3A_13 = vector.shape_cast %get3A_12 : vector<16xf32> to vector<16xf32>
    %scan3A = arith.constant 0 : i32
    %scan3A_14 = arith.constant 0 : i32
    %scan3A_15 = arith.constant 39 : i32
    %scan3A_16 = arith.addi %scan3A_14, %scan3A_15 : i32
    %scan3A_17 = arith.constant 1 : i32
    %scan3A_18 = scf.for %scan3A_20 = %scan3A_14 to %scan3A_16 step %scan3A_17 iter_args(%scan3A_21 = %scan3A) -> (i32)  : i32 {
      %lt3A = arith.constant 13 : i32
      %lt3A_22 = arith.cmpi slt, %scan3A_20, %lt3A : i32
      %mul3A_23 = arith.constant 256 : i32
      %mul3A_24 = arith.muli %scan3A_20, %mul3A_23 : i32
      %sub3A = arith.constant 13 : i32
      %sub3A_25 = arith.subi %scan3A_20, %sub3A : i32
      %mul3A_26 = arith.constant 100000 : i32
      %mul3A_27 = arith.muli %sub3A_25, %mul3A_26 : i32
      %select_n3A = arith.select %lt3A_22, %mul3A_24, %mul3A_27 : i32
      "tpu.region"() ({
        %run_scoped3A = tpu.sem_alloc : memref<!tpu.dma_semaphore, #tpu.memory_space<semaphore_mem>>
        %dma_start3A_64 = tpu.memref_slice %arg4[%scan3A_20, %mul3A_2] : memref<39x4096xi32, #tpu.memory_space<hbm>> -> memref<1x128xi32, #tpu.memory_space<hbm>>
        %dma_start3A_65 = tpu.memref_squeeze %dma_start3A_64 : memref<1x128xi32, #tpu.memory_space<hbm>> -> memref<128xi32, #tpu.memory_space<hbm>>
        %dma_start3A_66 = tpu.memref_slice %arg4[%scan3A_20, %mul3A_2] : memref<39x4096xi32, #tpu.memory_space<hbm>> -> memref<1x128xi32, #tpu.memory_space<hbm>>
        %dma_start3A_67 = tpu.memref_squeeze %dma_start3A_66 : memref<1x128xi32, #tpu.memory_space<hbm>> -> memref<128xi32, #tpu.memory_space<hbm>>
        tpu.enqueue_dma source(%dma_start3A_67 : memref<128xi32, #tpu.memory_space<hbm>>) target(%arg10 : memref<128xi32, #tpu.memory_space<vmem>>) target_semaphore(%run_scoped3A : memref<!tpu.dma_semaphore, #tpu.memory_space<semaphore_mem>>)
        %dma_wait3A_68 = tpu.memref_slice %arg4[%scan3A_20, %mul3A_2] : memref<39x4096xi32, #tpu.memory_space<hbm>> -> memref<1x128xi32, #tpu.memory_space<hbm>>
        %dma_wait3A_69 = tpu.memref_squeeze %dma_wait3A_68 : memref<1x128xi32, #tpu.memory_space<hbm>> -> memref<128xi32, #tpu.memory_space<hbm>>
        %dma_wait3A_70 = tpu.memref_slice %arg4[%scan3A_20, %mul3A_2] : memref<39x4096xi32, #tpu.memory_space<hbm>> -> memref<1x128xi32, #tpu.memory_space<hbm>>
        %dma_wait3A_71 = tpu.memref_squeeze %dma_wait3A_70 : memref<1x128xi32, #tpu.memory_space<hbm>> -> memref<128xi32, #tpu.memory_space<hbm>>
        tpu.wait_dma2 semaphore(%run_scoped3A : memref<!tpu.dma_semaphore, #tpu.memory_space<semaphore_mem>>) src(%dma_wait3A_71 : memref<128xi32, #tpu.memory_space<hbm>>) dst(%arg10 : memref<128xi32, #tpu.memory_space<vmem>>)
        tpu.yield
      }) : () -> ()
      "tpu.region"() ({
        %run_scoped3A = tpu.sem_alloc : memref<!tpu.dma_semaphore, #tpu.memory_space<semaphore_mem>>
        %dma_start3A_64 = tpu.memref_slice %arg5[%scan3A_20, %mul3A_2] : memref<39x4096xi32, #tpu.memory_space<hbm>> -> memref<1x128xi32, #tpu.memory_space<hbm>>
        %dma_start3A_65 = tpu.memref_squeeze %dma_start3A_64 : memref<1x128xi32, #tpu.memory_space<hbm>> -> memref<128xi32, #tpu.memory_space<hbm>>
        %dma_start3A_66 = tpu.memref_slice %arg5[%scan3A_20, %mul3A_2] : memref<39x4096xi32, #tpu.memory_space<hbm>> -> memref<1x128xi32, #tpu.memory_space<hbm>>
        %dma_start3A_67 = tpu.memref_squeeze %dma_start3A_66 : memref<1x128xi32, #tpu.memory_space<hbm>> -> memref<128xi32, #tpu.memory_space<hbm>>
        tpu.enqueue_dma source(%dma_start3A_67 : memref<128xi32, #tpu.memory_space<hbm>>) target(%arg12 : memref<128xi32, #tpu.memory_space<vmem>>) target_semaphore(%run_scoped3A : memref<!tpu.dma_semaphore, #tpu.memory_space<semaphore_mem>>)
        %dma_wait3A_68 = tpu.memref_slice %arg5[%scan3A_20, %mul3A_2] : memref<39x4096xi32, #tpu.memory_space<hbm>> -> memref<1x128xi32, #tpu.memory_space<hbm>>
        %dma_wait3A_69 = tpu.memref_squeeze %dma_wait3A_68 : memref<1x128xi32, #tpu.memory_space<hbm>> -> memref<128xi32, #tpu.memory_space<hbm>>
        %dma_wait3A_70 = tpu.memref_slice %arg5[%scan3A_20, %mul3A_2] : memref<39x4096xi32, #tpu.memory_space<hbm>> -> memref<1x128xi32, #tpu.memory_space<hbm>>
        %dma_wait3A_71 = tpu.memref_squeeze %dma_wait3A_70 : memref<1x128xi32, #tpu.memory_space<hbm>> -> memref<128xi32, #tpu.memory_space<hbm>>
        tpu.wait_dma2 semaphore(%run_scoped3A : memref<!tpu.dma_semaphore, #tpu.memory_space<semaphore_mem>>) src(%dma_wait3A_71 : memref<128xi32, #tpu.memory_space<hbm>>) dst(%arg12 : memref<128xi32, #tpu.memory_space<vmem>>)
        tpu.yield
      }) : () -> ()
      "tpu.region"() ({
        %run_scoped3A = tpu.sem_alloc : memref<!tpu.dma_semaphore, #tpu.memory_space<semaphore_mem>>
        %dma_start3A_64 = arith.constant 0 : i32
        %dma_start3A_65 = tpu.memref_slice %arg8[%scan3A_20, %dma_start3A_64] : memref<39x64xf32, #tpu.memory_space<hbm>> -> memref<1x64xf32, #tpu.memory_space<hbm>>
        %dma_start3A_66 = tpu.memref_squeeze %dma_start3A_65 : memref<1x64xf32, #tpu.memory_space<hbm>> -> memref<64xf32, #tpu.memory_space<hbm>>
        %dma_start3A_67 = arith.constant 0 : i32
        %dma_start3A_68 = tpu.memref_slice %arg8[%scan3A_20, %dma_start3A_67] : memref<39x64xf32, #tpu.memory_space<hbm>> -> memref<1x64xf32, #tpu.memory_space<hbm>>
        %dma_start3A_69 = tpu.memref_squeeze %dma_start3A_68 : memref<1x64xf32, #tpu.memory_space<hbm>> -> memref<64xf32, #tpu.memory_space<hbm>>
        tpu.enqueue_dma source(%dma_start3A_69 : memref<64xf32, #tpu.memory_space<hbm>>) target(%arg15 : memref<64xf32, #tpu.memory_space<vmem>>) target_semaphore(%run_scoped3A : memref<!tpu.dma_semaphore, #tpu.memory_space<semaphore_mem>>)
        %dma_wait3A_70 = arith.constant 0 : i32
        %dma_wait3A_71 = tpu.memref_slice %arg8[%scan3A_20, %dma_wait3A_70] : memref<39x64xf32, #tpu.memory_space<hbm>> -> memref<1x64xf32, #tpu.memory_space<hbm>>
        %dma_wait3A_72 = tpu.memref_squeeze %dma_wait3A_71 : memref<1x64xf32, #tpu.memory_space<hbm>> -> memref<64xf32, #tpu.memory_space<hbm>>
        %dma_wait3A_73 = arith.constant 0 : i32
        %dma_wait3A_74 = tpu.memref_slice %arg8[%scan3A_20, %dma_wait3A_73] : memref<39x64xf32, #tpu.memory_space<hbm>> -> memref<1x64xf32, #tpu.memory_space<hbm>>
        %dma_wait3A_75 = tpu.memref_squeeze %dma_wait3A_74 : memref<1x64xf32, #tpu.memory_space<hbm>> -> memref<64xf32, #tpu.memory_space<hbm>>
        tpu.wait_dma2 semaphore(%run_scoped3A : memref<!tpu.dma_semaphore, #tpu.memory_space<semaphore_mem>>) src(%dma_wait3A_75 : memref<64xf32, #tpu.memory_space<hbm>>) dst(%arg15 : memref<64xf32, #tpu.memory_space<vmem>>)
        tpu.yield
      }) : () -> ()
      %scan3A_28 = arith.constant 0 : i32
      %scan3A_29 = arith.constant 0 : i32
      %scan3A_30 = arith.constant 8 : i32
      %scan3A_31 = arith.addi %scan3A_29, %scan3A_30 : i32
      %scan3A_32 = arith.constant 1 : i32
      %scan3A_33 = scf.for %scan3A_64 = %scan3A_29 to %scan3A_31 step %scan3A_32 iter_args(%scan3A_65 = %scan3A_28) -> (i32)  : i32 {
        %mul3A_66 = arith.constant 16 : i32
        %mul3A_67 = arith.muli %scan3A_64, %mul3A_66 : i32
        %get3A_68 = arith.index_cast %mul3A_67 : i32 to index
        %get3A_69 = tpu.vector_load %arg10[%get3A_68] {strides = array<i32>} : memref<128xi32, #tpu.memory_space<vmem>>, vector<16xi32>,
        %get3A_70 = vector.shape_cast %get3A_69 : vector<16xi32> to vector<16xi32>
        %add3A_71 = vector.broadcast %select_n3A : i32 to vector<16xi32>
        %add3A_72 = arith.addi %get3A_70, %add3A_71 : vector<16xi32>
        %mul3A_73 = arith.constant 16 : i32
        %mul3A_74 = arith.muli %scan3A_64, %mul3A_73 : i32
        %swap3A = arith.index_cast %mul3A_74 : i32 to index
        %swap3A_75 = tpu.vector_load %arg10[%swap3A] {strides = array<i32>} : memref<128xi32, #tpu.memory_space<vmem>>, vector<16xi32>,
        %swap3A_76 = vector.shape_cast %swap3A_75 : vector<16xi32> to vector<16xi32>
        %swap3A_77 = vector.shape_cast %add3A_72 : vector<16xi32> to vector<16xi32>
        tpu.vector_store %arg10[%swap3A], %swap3A_77 {strides = array<i32>} : memref<128xi32, #tpu.memory_space<vmem>>, vector<16xi32>,
        %scan3A_78 = arith.constant 0 : i32
        scf.yield %scan3A_78 : i32
      }
      %scan3A_34 = arith.constant 8 : i32
      %convert_element_type3A = arith.extui %lt3A_22 : i1 to i32
      %cond3A = arith.constant 0 : i32
      %cond3A_35 = arith.cmpi ne, %convert_element_type3A, %cond3A : i32
      scf.if %cond3A_35 {
        %dma_start3A_64 = arith.constant 0 : i32
        %dma_start3A_65 = arith.constant 0 : i32
        %dma_start3A_66 = tpu.memref_slice %arg3[%dma_start3A_64, %dma_start3A_65] : memref<3328x64xf32, #tpu.memory_space<hbm>> -> memref<3328x64xf32, #tpu.memory_space<hbm>>
        tpu.enqueue_indirect_dma source(%dma_start3A_66 : memref<3328x64xf32, #tpu.memory_space<hbm>>) target(%arg11 : memref<128x64xf32, #tpu.memory_space<vmem>>) offsets(%arg10 : memref<128xi32, #tpu.memory_space<vmem>>) semaphore(%arg16 : memref<!tpu.dma_semaphore, #tpu.memory_space<semaphore_mem>>)
        %dma_wait3A_67 = arith.constant 0 : i32
        %dma_wait3A_68 = arith.constant 0 : i32
        %dma_wait3A_69 = tpu.memref_slice %arg3[%dma_wait3A_67, %dma_wait3A_68] : memref<3328x64xf32, #tpu.memory_space<hbm>> -> memref<3328x64xf32, #tpu.memory_space<hbm>>
        tpu.wait_indirect_dma semaphore(%arg16 : memref<!tpu.dma_semaphore, #tpu.memory_space<semaphore_mem>>) src(%dma_wait3A_69 : memref<3328x64xf32, #tpu.memory_space<hbm>>) dst(%arg11 : memref<128x64xf32, #tpu.memory_space<vmem>>)
      } else {
      }
      %not3A = arith.constant true
      %not3A_36 = arith.xori %lt3A_22, %not3A : i1
      %convert_element_type3A_37 = arith.extui %not3A_36 : i1 to i32
      %cond3A_38 = arith.constant 0 : i32
      %cond3A_39 = arith.cmpi ne, %convert_element_type3A_37, %cond3A_38 : i32
      scf.if %cond3A_39 {
        %dma_start3A_64 = arith.constant 0 : i32
        %dma_start3A_65 = arith.constant 0 : i32
        %dma_start3A_66 = tpu.memref_slice %arg2[%dma_start3A_64, %dma_start3A_65] : memref<2600000x64xf32, #tpu.memory_space<hbm>> -> memref<2600000x64xf32, #tpu.memory_space<hbm>>
        tpu.enqueue_indirect_dma source(%dma_start3A_66 : memref<2600000x64xf32, #tpu.memory_space<hbm>>) target(%arg11 : memref<128x64xf32, #tpu.memory_space<vmem>>) offsets(%arg10 : memref<128xi32, #tpu.memory_space<vmem>>) semaphore(%arg16 : memref<!tpu.dma_semaphore, #tpu.memory_space<semaphore_mem>>)
        %dma_wait3A_67 = arith.constant 0 : i32
        %dma_wait3A_68 = arith.constant 0 : i32
        %dma_wait3A_69 = tpu.memref_slice %arg2[%dma_wait3A_67, %dma_wait3A_68] : memref<2600000x64xf32, #tpu.memory_space<hbm>> -> memref<2600000x64xf32, #tpu.memory_space<hbm>>
        tpu.wait_indirect_dma semaphore(%arg16 : memref<!tpu.dma_semaphore, #tpu.memory_space<semaphore_mem>>) src(%dma_wait3A_69 : memref<2600000x64xf32, #tpu.memory_space<hbm>>) dst(%arg11 : memref<128x64xf32, #tpu.memory_space<vmem>>)
      } else {
      }
      %dma_start3A = arith.constant 0 : i32
      %dma_start3A_40 = arith.constant 0 : i32
      %dma_start3A_41 = tpu.memref_slice %arg6[%dma_start3A, %dma_start3A_40] : memref<2x16xf32, #tpu.memory_space<hbm>> -> memref<2x16xf32, #tpu.memory_space<hbm>>
      tpu.enqueue_indirect_dma source(%dma_start3A_41 : memref<2x16xf32, #tpu.memory_space<hbm>>) target(%arg13 : memref<128x16xf32, #tpu.memory_space<vmem>>) offsets(%arg12 : memref<128xi32, #tpu.memory_space<vmem>>) semaphore(%arg16 : memref<!tpu.dma_semaphore, #tpu.memory_space<semaphore_mem>>)
      %dma_wait3A = arith.constant 0 : i32
      %dma_wait3A_42 = arith.constant 0 : i32
      %dma_wait3A_43 = tpu.memref_slice %arg6[%dma_wait3A, %dma_wait3A_42] : memref<2x16xf32, #tpu.memory_space<hbm>> -> memref<2x16xf32, #tpu.memory_space<hbm>>
      tpu.wait_indirect_dma semaphore(%arg16 : memref<!tpu.dma_semaphore, #tpu.memory_space<semaphore_mem>>) src(%dma_wait3A_43 : memref<2x16xf32, #tpu.memory_space<hbm>>) dst(%arg13 : memref<128x16xf32, #tpu.memory_space<vmem>>)
      %get3A_44 = arith.constant 0 : index
      %get3A_45 = tpu.vector_load %arg15[%get3A_44] {strides = array<i32>} : memref<64xf32, #tpu.memory_space<vmem>>, vector<16xf32>,
      %get3A_46 = vector.shape_cast %get3A_45 : vector<16xf32> to vector<16xf32>
      %get3A_47 = arith.constant 16 : index
      %get3A_48 = tpu.vector_load %arg15[%get3A_47] {strides = array<i32>} : memref<64xf32, #tpu.memory_space<vmem>>, vector<16xf32>,
      %get3A_49 = vector.shape_cast %get3A_48 : vector<16xf32> to vector<16xf32>
      %get3A_50 = arith.constant 32 : index
      %get3A_51 = tpu.vector_load %arg15[%get3A_50] {strides = array<i32>} : memref<64xf32, #tpu.memory_space<vmem>>, vector<16xf32>,
      %get3A_52 = vector.shape_cast %get3A_51 : vector<16xf32> to vector<16xf32>
      %get3A_53 = arith.constant 48 : index
      %get3A_54 = tpu.vector_load %arg15[%get3A_53] {strides = array<i32>} : memref<64xf32, #tpu.memory_space<vmem>>, vector<16xf32>,
      %get3A_55 = vector.shape_cast %get3A_54 : vector<16xf32> to vector<16xf32>
      %scan3A_56 = arith.constant 0 : i32
      %scan3A_57 = arith.constant 0 : i32
      %scan3A_58 = arith.constant 128 : i32
      %scan3A_59 = arith.addi %scan3A_57, %scan3A_58 : i32
      %scan3A_60 = arith.constant 1 : i32
      %scan3A_61 = scf.for %scan3A_64 = %scan3A_57 to %scan3A_59 step %scan3A_60 iter_args(%scan3A_65 = %scan3A_56) -> (i32)  : i32 {
        %get3A_66 = arith.index_cast %scan3A_64 : i32 to index
        %get3A_67 = arith.constant 0 : index
        %get3A_68 = tpu.vector_load %arg13[%get3A_66, %get3A_67] {strides = array<i32>} : memref<128x16xf32, #tpu.memory_space<vmem>>, vector<1x16xf32>,
        %get3A_69 = vector.shape_cast %get3A_68 : vector<1x16xf32> to vector<16xf32>
        %get3A_70 = arith.index_cast %scan3A_64 : i32 to index
        %get3A_71 = arith.constant 0 : index
        %get3A_72 = tpu.vector_load %arg11[%get3A_70, %get3A_71] {strides = array<i32>} : memref<128x64xf32, #tpu.memory_space<vmem>>, vector<1x16xf32>,
        %get3A_73 = vector.shape_cast %get3A_72 : vector<1x16xf32> to vector<16xf32>
        %add3A_74 = arith.addf %get3A_73, %get3A_46 : vector<16xf32>
        %sub3A_75 = arith.subf %get3A_4, %get3A_73 : vector<16xf32>
        %mul3A_76 = arith.mulf %get3A_69, %sub3A_75 : vector<16xf32>
        %add3A_77 = arith.addf %add3A_74, %mul3A_76 : vector<16xf32>
        %swap3A = arith.index_cast %scan3A_64 : i32 to index
        %swap3A_78 = arith.constant 0 : index
        %swap3A_79 = tpu.vector_load %arg11[%swap3A, %swap3A_78] {strides = array<i32>} : memref<128x64xf32, #tpu.memory_space<vmem>>, vector<1x16xf32>,
        %swap3A_80 = vector.shape_cast %swap3A_79 : vector<1x16xf32> to vector<16xf32>
        %swap3A_81 = vector.shape_cast %add3A_77 : vector<16xf32> to vector<1x16xf32>
        tpu.vector_store %arg11[%swap3A, %swap3A_78], %swap3A_81 {strides = array<i32>} : memref<128x64xf32, #tpu.memory_space<vmem>>, vector<1x16xf32>,
        %get3A_82 = arith.index_cast %scan3A_64 : i32 to index
        %get3A_83 = arith.constant 16 : index
        %get3A_84 = tpu.vector_load %arg11[%get3A_82, %get3A_83] {strides = array<i32>} : memref<128x64xf32, #tpu.memory_space<vmem>>, vector<1x16xf32>,
        %get3A_85 = vector.shape_cast %get3A_84 : vector<1x16xf32> to vector<16xf32>
        %add3A_86 = arith.addf %get3A_85, %get3A_49 : vector<16xf32>
        %sub3A_87 = arith.subf %get3A_7, %get3A_85 : vector<16xf32>
        %mul3A_88 = arith.mulf %get3A_69, %sub3A_87 : vector<16xf32>
        %add3A_89 = arith.addf %add3A_86, %mul3A_88 : vector<16xf32>
        %swap3A_90 = arith.index_cast %scan3A_64 : i32 to index
        %swap3A_91 = arith.constant 16 : index
        %swap3A_92 = tpu.vector_load %arg11[%swap3A_90, %swap3A_91] {strides = array<i32>} : memref<128x64xf32, #tpu.memory_space<vmem>>, vector<1x16xf32>,
        %swap3A_93 = vector.shape_cast %swap3A_92 : vector<1x16xf32> to vector<16xf32>
        %swap3A_94 = vector.shape_cast %add3A_89 : vector<16xf32> to vector<1x16xf32>
        tpu.vector_store %arg11[%swap3A_90, %swap3A_91], %swap3A_94 {strides = array<i32>} : memref<128x64xf32, #tpu.memory_space<vmem>>, vector<1x16xf32>,
        %get3A_95 = arith.index_cast %scan3A_64 : i32 to index
        %get3A_96 = arith.constant 32 : index
        %get3A_97 = tpu.vector_load %arg11[%get3A_95, %get3A_96] {strides = array<i32>} : memref<128x64xf32, #tpu.memory_space<vmem>>, vector<1x16xf32>,
        %get3A_98 = vector.shape_cast %get3A_97 : vector<1x16xf32> to vector<16xf32>
        %add3A_99 = arith.addf %get3A_98, %get3A_52 : vector<16xf32>
        %sub3A_100 = arith.subf %get3A_10, %get3A_98 : vector<16xf32>
        %mul3A_101 = arith.mulf %get3A_69, %sub3A_100 : vector<16xf32>
        %add3A_102 = arith.addf %add3A_99, %mul3A_101 : vector<16xf32>
        %swap3A_103 = arith.index_cast %scan3A_64 : i32 to index
        %swap3A_104 = arith.constant 32 : index
        %swap3A_105 = tpu.vector_load %arg11[%swap3A_103, %swap3A_104] {strides = array<i32>} : memref<128x64xf32, #tpu.memory_space<vmem>>, vector<1x16xf32>,
        %swap3A_106 = vector.shape_cast %swap3A_105 : vector<1x16xf32> to vector<16xf32>
        %swap3A_107 = vector.shape_cast %add3A_102 : vector<16xf32> to vector<1x16xf32>
        tpu.vector_store %arg11[%swap3A_103, %swap3A_104], %swap3A_107 {strides = array<i32>} : memref<128x64xf32, #tpu.memory_space<vmem>>, vector<1x16xf32>,
        %get3A_108 = arith.index_cast %scan3A_64 : i32 to index
        %get3A_109 = arith.constant 48 : index
        %get3A_110 = tpu.vector_load %arg11[%get3A_108, %get3A_109] {strides = array<i32>} : memref<128x64xf32, #tpu.memory_space<vmem>>, vector<1x16xf32>,
        %get3A_111 = vector.shape_cast %get3A_110 : vector<1x16xf32> to vector<16xf32>
        %add3A_112 = arith.addf %get3A_111, %get3A_55 : vector<16xf32>
        %sub3A_113 = arith.subf %get3A_13, %get3A_111 : vector<16xf32>
        %mul3A_114 = arith.mulf %get3A_69, %sub3A_113 : vector<16xf32>
        %add3A_115 = arith.addf %add3A_112, %mul3A_114 : vector<16xf32>
        %swap3A_116 = arith.index_cast %scan3A_64 : i32 to index
        %swap3A_117 = arith.constant 48 : index
        %swap3A_118 = tpu.vector_load %arg11[%swap3A_116, %swap3A_117] {strides = array<i32>} : memref<128x64xf32, #tpu.memory_space<vmem>>, vector<1x16xf32>,
        %swap3A_119 = vector.shape_cast %swap3A_118 : vector<1x16xf32> to vector<16xf32>
        %swap3A_120 = vector.shape_cast %add3A_115 : vector<16xf32> to vector<1x16xf32>
        tpu.vector_store %arg11[%swap3A_116, %swap3A_117], %swap3A_120 {strides = array<i32>} : memref<128x64xf32, #tpu.memory_space<vmem>>, vector<1x16xf32>,
        %scan3A_121 = arith.constant 0 : i32
        scf.yield %scan3A_121 : i32
      }
      %scan3A_62 = arith.constant 128 : i32
      "tpu.region"() ({
        %run_scoped3A = tpu.sem_alloc : memref<!tpu.dma_semaphore, #tpu.memory_space<semaphore_mem>>
        %dma_start3A_64 = arith.constant 0 : i32
        %dma_start3A_65 = tpu.memref_slice %arg9[%mul3A_2, %scan3A_20, %dma_start3A_64] : memref<4096x39x64xf32, #tpu.memory_space<hbm>> -> memref<128x1x64xf32, #tpu.memory_space<hbm>>
        %dma_start3A_66 = tpu.memref_squeeze %dma_start3A_65 : memref<128x1x64xf32, #tpu.memory_space<hbm>> -> memref<128x64xf32, #tpu.memory_space<hbm>>
        %dma_start3A_67 = arith.constant 0 : i32
        %dma_start3A_68 = tpu.memref_slice %arg9[%mul3A_2, %scan3A_20, %dma_start3A_67] : memref<4096x39x64xf32, #tpu.memory_space<hbm>> -> memref<128x1x64xf32, #tpu.memory_space<hbm>>
        %dma_start3A_69 = tpu.memref_squeeze %dma_start3A_68 : memref<128x1x64xf32, #tpu.memory_space<hbm>> -> memref<128x64xf32, #tpu.memory_space<hbm>>
        tpu.enqueue_dma source(%arg11 : memref<128x64xf32, #tpu.memory_space<vmem>>) target(%dma_start3A_69 : memref<128x64xf32, #tpu.memory_space<hbm>>) target_semaphore(%run_scoped3A : memref<!tpu.dma_semaphore, #tpu.memory_space<semaphore_mem>>)
        %dma_wait3A_70 = arith.constant 0 : i32
        %dma_wait3A_71 = tpu.memref_slice %arg9[%mul3A_2, %scan3A_20, %dma_wait3A_70] : memref<4096x39x64xf32, #tpu.memory_space<hbm>> -> memref<128x1x64xf32, #tpu.memory_space<hbm>>
        %dma_wait3A_72 = tpu.memref_squeeze %dma_wait3A_71 : memref<128x1x64xf32, #tpu.memory_space<hbm>> -> memref<128x64xf32, #tpu.memory_space<hbm>>
        %dma_wait3A_73 = arith.constant 0 : i32
        %dma_wait3A_74 = tpu.memref_slice %arg9[%mul3A_2, %scan3A_20, %dma_wait3A_73] : memref<4096x39x64xf32, #tpu.memory_space<hbm>> -> memref<128x1x64xf32, #tpu.memory_space<hbm>>
        %dma_wait3A_75 = tpu.memref_squeeze %dma_wait3A_74 : memref<128x1x64xf32, #tpu.memory_space<hbm>> -> memref<128x64xf32, #tpu.memory_space<hbm>>
        tpu.wait_dma2 semaphore(%run_scoped3A : memref<!tpu.dma_semaphore, #tpu.memory_space<semaphore_mem>>) src(%arg11 : memref<128x64xf32, #tpu.memory_space<vmem>>) dst(%dma_wait3A_75 : memref<128x64xf32, #tpu.memory_space<hbm>>)
        tpu.yield
      }) : () -> ()
      %scan3A_63 = arith.constant 0 : i32
      scf.yield %scan3A_63 : i32
    }
    %scan3A_19 = arith.constant 39 : i32
    return
  }
}

module attributes {stable_mosaic.version = 14 : i64} {
  func.func @_w_body(%arg0: memref<13x256xf32, #tpu.memory_space<vmem>>, %arg1: memref<13x64xf32, #tpu.memory_space<vmem>>, %arg2: memref<13x64xf32, #tpu.memory_space<vmem>>, %arg3: memref<13x256x64xf32, #tpu.memory_space<vmem>>, %arg4: memref<13x256x64xf32, #tpu.memory_space<vmem>>) attributes {dimension_semantics = [], scalar_prefetch = 0 : i64, scratch_operands = 0 : i64, tpu.core_type = #tpu.core_type<tc>} {
    %get3A = arith.constant 0 : index
    %get3A_0 = arith.constant 0 : index
    %get3A_1 = vector.load %arg0[%get3A, %get3A_0] : memref<13x256xf32, #tpu.memory_space<vmem>>, vector<13x256xf32>
    %broadcast_in_dim3A = vector.shape_cast %get3A_1 : vector<13x256xf32> to vector<13x256x1xf32>
    %get3A_2 = arith.constant 0 : index
    %get3A_3 = arith.constant 0 : index
    %get3A_4 = vector.load %arg1[%get3A_2, %get3A_3] : memref<13x64xf32, #tpu.memory_space<vmem>>, vector<13x64xf32>
    %broadcast_in_dim3A_5 = vector.shape_cast %get3A_4 : vector<13x64xf32> to vector<13x1x64xf32>
    %get3A_6 = arith.constant 0 : index
    %get3A_7 = arith.constant 0 : index
    %get3A_8 = vector.load %arg2[%get3A_6, %get3A_7] : memref<13x64xf32, #tpu.memory_space<vmem>>, vector<13x64xf32>
    %broadcast_in_dim3A_9 = vector.shape_cast %get3A_8 : vector<13x64xf32> to vector<13x1x64xf32>
    %mul3A = vector.broadcast %broadcast_in_dim3A : vector<13x256x1xf32> to vector<13x256x64xf32>
    %mul3A_10 = vector.broadcast %broadcast_in_dim3A_5 : vector<13x1x64xf32> to vector<13x256x64xf32>
    %mul3A_11 = arith.mulf %mul3A, %mul3A_10 : vector<13x256x64xf32>
    %sub3A = arith.constant 1.000000e+00 : f32
    %sub3A_12 = vector.broadcast %sub3A : f32 to vector<13x256x1xf32>
    %sub3A_13 = arith.subf %sub3A_12, %broadcast_in_dim3A : vector<13x256x1xf32>
    %mul3A_14 = vector.broadcast %sub3A_13 : vector<13x256x1xf32> to vector<13x256x64xf32>
    %mul3A_15 = vector.broadcast %broadcast_in_dim3A_9 : vector<13x1x64xf32> to vector<13x256x64xf32>
    %mul3A_16 = arith.mulf %mul3A_14, %mul3A_15 : vector<13x256x64xf32>
    %add3A = arith.addf %mul3A_11, %mul3A_16 : vector<13x256x64xf32>
    %get3A_17 = arith.constant 0 : index
    %get3A_18 = arith.constant 0 : index
    %get3A_19 = arith.constant 0 : index
    %get3A_20 = vector.load %arg3[%get3A_17, %get3A_18, %get3A_19] : memref<13x256x64xf32, #tpu.memory_space<vmem>>, vector<13x256x64xf32>
    %add3A_21 = arith.addf %add3A, %get3A_20 : vector<13x256x64xf32>
    %swap3A = arith.constant 0 : index
    %swap3A_22 = arith.constant 0 : index
    %swap3A_23 = arith.constant 0 : index
    %swap3A_24 = vector.load %arg4[%swap3A, %swap3A_22, %swap3A_23] : memref<13x256x64xf32, #tpu.memory_space<vmem>>, vector<13x256x64xf32>
    tpu.vector_store %arg4[%swap3A, %swap3A_22, %swap3A_23], %add3A_21 {strides = array<i32>} : memref<13x256x64xf32, #tpu.memory_space<vmem>>, vector<13x256x64xf32>,
    return
  }
}

</mosaic_0001>

<sc_bundles>
// kernel: kernel.4.cloned.1.call-start
scs
__scs_entry_jumppad:
0x0: {  	(pc) =	sbr.rel $0x88, $3  }
0x1: {  	(tag) =	ssettag $0x0;
	lr =	simm.s32 $0x1  }
0x2: {  	[smem:$0x3F98] =	sst lr;
	_ =	strace $0xD0000000  }
0x3: {  	_ = 	snop  }
0x4: {  	_ = 	snop  }
0x5: {  	_ = 	snop  }
0x6: {  	_ = 	snop  }
0x7: {  	_ = 	snop  }
__scs_overlays_trampoline_lowered:
0x8: {  	[smem:$0x3FA7] =	sst s0  }
0x9: {  	[smem:$0x3FA8] =	sst s1  }
0xa: {  	[smem:$0x3FA9] =	sst s2  }
0xb: {  	[smem:$0x3FAA] =	sst s3  }
0xc: {  	[smem:$0x3FAB] =	sst s4  }
0xd: {  	[smem:$0x3FAC] =	sst s5  }
0xe: {  	[smem:$0x3FAD] =	sst s6  }
0xf: {  	[smem:$0x3FAE] =	sst s7  }
0x10: {  	[smem:$0x3FAF] =	sst s8  }
0x11: {  	[smem:$0x3FB0] =	sst s9;
	s0 =	simm.s32 @!p0 $0x0  }
0x12: {  	s1 =	sld [smem:$0x3F96];
	s0 =	simm.s32 @p0 $0x1  }
0x13: {  	[smem:$0x3FB1] =	sst s0;
	s0 =	simm.s32 @!p1 $0x0  }
0x14: {  	s2 =	sld [smem:$0x3F95];
	s0 =	simm.s32 @p1 $0x1  }
0x15: {  	[smem:$0x3FB2] =	sst s0;
	s0 =	simm.s32 @!p2 $0x0  }
0x16: {  	s3 =	sld [smem:$0x3FDB];
	s0 =	simm.s32 @p2 $0x1  }
0x17: {  	s4 =	simm.s32 $0x1BF5;
	[smem:$0x3FB4] =	sst s0  }
0x18: {  	s0 =	sld [smem:$0x3F97];
	_ =	swait.ge [sflag:s4], $0x0  }
0x19: {  	s7 =	sld [smem:$0x3F98]  }
0x1a: {  	s8 =	sadd.s32 $0xFFFFE003, lr  }
0x1b: {  	s9 =	sadd.s32 $0xFFFFFEF7, lr;
	s5 =	simm.s32 $0xFFFFFFFF;
	p2 =	slt.u32 s8, $0xFFFFF086  }
0x1c: {  	p1 =	slt.u32 s9, $0xF7A;
	s5 =	simm.s32 @!p2 $0x0  }
0x1d: {  	s5 =	simm.s32 @p1 $0x1;
	p0 =	seq.s32 s7, s2  }
0x1e: {  	s7 =	smul.u32 @!p0 $0xF7A, s2;
	p2 =	seq.s32 @!p0 s5, $0x0  }
0x1f: {  	s9 =	smul.u32 $0xF7A, s1;
	s8 =	simm.s32 @!p0 $0x1BF5;
	p2 =	por !p2, p0  }
0x20: {  	[sflag:s8] =	ssyncset.s32 @!p0 $0xFFFFF086;
	s6 =	sadd.s32 @!p0 s3, s7;
	s7 =	simm.s32 @!p0 $0x108  }
0x21: {  	s3 =	sadd.s32 s3, s9;
	s6 =	sadd.s32 @!p0 $0x88, s6;
	s7 =	simm.s32 @p2 $0x1082  }
0x22: {  	[simem:s7], [sflag:s8] =	dma.local @!p0 [hbm:s6], $0xF7A  }
0x23: {  	s9 =	sor.u32 $0xD0000000, s2;
	s6 =	simm.s32 $0x108;
	_ =	swait.ge @!p0 [sflag:s8], $0x0  }
0x24: {  	s3 =	sadd.s32 $0x88, s3;
	s6 =	simm.s32 @!p1 $0x1082;
	[sflag:s4] =	ssyncset.s32 $0xFFFFF086  }
0x25: {  	[simem:s6], [sflag:s4] =	dma.local [hbm:s3], $0xF7A  }
0x26: {  	[smem:$0x3F98] =	sst s1;
	(tag) =	ssettag s2;
	_ =	strace s9  }
0x27: {  	s1 =	sld [smem:$0x3FA8]  }
0x28: {  	s2 =	sld [smem:$0x3FA9]  }
0x29: {  	s4 =	sld [smem:$0x3FAB]  }
0x2a: {  	p0 =	seq.s32 s5, $0x0;
	s5 =	sld [smem:$0x3FAC]  }
0x2b: {  	s6 =	sld [smem:$0x3FAD]  }
0x2c: {  	s7 =	sld [smem:$0x3FAE]  }
0x2d: {  	s3 =	simm.s32 $0x108;
	s8 =	sld [smem:$0x3FAF]  }
0x2e: {  	s3 =	simm.s32 @!p0 $0x1082;
	s9 =	sld [smem:$0x3FB0]  }
0x2f: {  	lr =	sadd.s32 s0, s3;
	s0 =	sld [smem:$0x3FA7]  }
0x30: {  	s3 =	sld [smem:$0x3FAA]  }
0x31: {  	[smem:$0x3FB3] =	sst s10  }
0x32: {  	s10 =	sld [smem:$0x3FB1];
	_ =	sdelay $0x3  }
0x33: {  	p0 =	seq.s32 s10, $0x1;
	s10 =	sld [smem:$0x3FB3];
	_ =	sdelay $0x3  }
0x34: {  	[smem:$0x3FB3] =	sst s10  }
0x35: {  	s10 =	sld [smem:$0x3FB2];
	_ =	sdelay $0x3  }
0x36: {  	p1 =	seq.s32 s10, $0x1;
	s10 =	sld [smem:$0x3FB3];
	_ =	sdelay $0x3  }
0x37: {  	[smem:$0x3FB3] =	sst s10  }
0x38: {  	s10 =	sld [smem:$0x3FB4]  }
0x39: {  	_ = 	snop;
	(pc) =	sbr.ind lr, $3  }
0x3a: {  	_ = 	snop  }
0x3b: {  	_ = 	snop  }
0x3c: {  	p2 =	seq.s32 s10, $0x1;
	s10 =	sld [smem:$0x3FB3]  }
0x3d: {  	_ =	shalt  }
0x3e: {  	_ =	shalt  }
0x3f: {  	_ =	shalt  }
0x40: {  	_ =	shalt  }
0x41: {  	_ =	shalt  }
0x42: {  	_ =	shalt  }
0x43: {  	_ =	shalt  }
0x44: {  	_ =	shalt  }
0x45: {  	_ =	shalt  }
0x46: {  	_ =	shalt  }
0x47: {  	_ =	shalt  }
0x48: {  	_ =	shalt  }
0x49: {  	_ =	shalt  }
0x4a: {  	_ =	shalt  }
0x4b: {  	_ =	shalt  }
0x4c: {  	_ =	shalt  }
0x4d: {  	_ =	shalt  }
0x4e: {  	_ =	shalt  }
0x4f: {  	_ =	shalt  }
0x50: {  	_ =	shalt  }
0x51: {  	_ =	shalt  }
0x52: {  	_ =	shalt  }
0x53: {  	_ =	shalt  }
0x54: {  	_ =	shalt  }
0x55: {  	_ =	shalt  }
0x56: {  	_ =	shalt  }
0x57: {  	_ =	shalt  }
0x58: {  	_ =	shalt  }
0x59: {  	_ =	shalt  }
0x5a: {  	_ =	shalt  }
0x5b: {  	_ =	shalt  }
0x5c: {  	_ =	shalt  }
0x5d: {  	_ =	shalt  }
0x5e: {  	_ =	shalt  }
0x5f: {  	_ =	shalt  }
0x60: {  	_ =	shalt  }
0x61: {  	_ =	shalt  }
0x62: {  	_ =	shalt  }
0x63: {  	_ =	shalt  }
0x64: {  	_ =	shalt  }
0x65: {  	_ =	shalt  }
0x66: {  	_ =	shalt  }
0x67: {  	_ =	shalt  }
0x68: {  	_ =	shalt  }
0x69: {  	_ =	shalt  }
0x6a: {  	_ =	shalt  }
0x6b: {  	_ =	shalt  }
0x6c: {  	_ =	shalt  }
0x6d: {  	_ =	shalt  }
0x6e: {  	_ =	shalt  }
0x6f: {  	_ =	shalt  }
0x70: {  	_ =	shalt  }
0x71: {  	_ =	shalt  }
0x72: {  	_ =	shalt  }
0x73: {  	_ =	shalt  }
0x74: {  	_ =	shalt  }
0x75: {  	_ =	shalt  }
0x76: {  	_ =	shalt  }
0x77: {  	_ =	shalt  }
0x78: {  	_ =	shalt  }
0x79: {  	_ =	shalt  }
0x7a: {  	_ =	shalt  }
0x7b: {  	_ =	shalt  }
0x7c: {  	_ =	shalt  }
0x7d: {  	_ =	shalt  }
0x7e: {  	_ =	shalt  }
0x7f: {  	_ =	shalt  }
0x80: {  	_ =	shalt  }
0x81: {  	_ =	shalt  }
0x82: {  	_ =	shalt  }
0x83: {  	_ =	shalt  }
0x84: {  	_ =	shalt  }
0x85: {  	_ =	shalt  }
0x86: {  	_ =	shalt  }
0x87: {  	_ =	shalt  }
.Lfunc_end0:
.L_simem_size_0:
called_computation.1_lowered:
.L_overlay_start_0:
0x88: {  	s2 =	sld [smem:$0x3FD9]  }
0x89: {  	s3 =	sld [smem:$0x3FFE];
	_ =	sdelay $0x1  }
0x8a: {  	s1 =	srdreg.scid  }
0x8b: {  	s0 =	sand.u32 $0x1, s1  }
0x8c: {  	s17 =	sshll.u32 s0, $0xA;
	s2 =	sadd.s32 s3, s2  }
0x8d: {  	s2 =	sadd.s32 s2, s17  }
0x8e: {  	[smem:$0x3FBF] =	sst s2  }
0x8f: {  	_ = 	snop  }
0x90: {  	s2 =	sld [smem:$0x3FC2]  }
0x91: {  	s18 =	sld [smem:$0x3FD0];
	(tm) =	ssettm $0x1  }
0x92: {  	s4 =	sld [smem:$0x3FFB];
	_ =	sdelay $0x3  }
0x93: {  	_ =	strace s4  }
0x94: {  	s4 =	sld [smem:$0x3FFC];
	_ =	sdelay $0x3  }
0x95: {  	_ =	strace s4  }
0x96: {  	s4 =	sld [smem:$0x3FFD];
	_ =	sdelay $0x3  }
0x97: {  	_ =	strace s4  }
0x98: {  	_ =	strace $0x8FFFFFFF  }
0x99: {  	s19 =	sld [smem:$0x3FDB];
	_ =	sdelay $0x1  }
0x9a: {  	s5 =	simm.s32 $_scs_section_size  }
0x9b: {  	s6 =	simm.s32 $_size__tile_overlayer_lowered;
	s7 =	simm.s32 $_tile_overlayer_lowered  }
0x9c: {  	s22 =	simm.s32 $0x1BFF;
	s21 =	sshll.u32 s7, $0x1;
	s4 =	sadd.s32 s5, s19  }
0x9d: {  	s8 =	simm.s32 $0x0;
	s20 =	sshll.u32 s6, $0x1;
	s6 =	sadd.s32 s21, s4  }
0x9e: {  	[timem:s8], [sflag:s22] =	dma.local [hbm:s6], s20  }
0x9f: {  	_ =	swait.ge [sflag:s22], s20  }
0xa0: {  	s5 =	ssub.s32 $0x0, s20;
	[sflag:s22] =	ssyncset.done $0x0  }
0xa1: {  	[sflag:s22] =	ssyncadd.s32 s5;
	_ =	sdelay $0x1  }
0xa2: {  	s23 =	simm.s32 $0x1B8B  }
0xa3: {  	_ =	swait.ge [sflag:s23], $0x1  }
0xa4: {  	[sflag:s23] =	ssyncset.done $0x0  }
0xa5: {  	s25 =	simm.s32 $0x1B8E;
	s24 =	sld [smem:$0x3FFE];
	[sflag:s23] =	ssyncadd.s32 $0xFFFFFFFF  }
0xa6: {  	s26 =	simm.s32 $execute0_lowered;
	[smem:$0x3FD2] =	sst s25  }
0xa7: {  	s6 =	sshll.u32 s26, $0x1;
	_ =	strace $0x80000046;
	[dreg:$0x1] =	wrdreg $0xFFFFFFFF  }
0xa8: {  	s28 =	simm.s32 $_size_execute0_lowered;
	s4 =	sadd.s32 s4, s6;
	[dreg:$0x0] =	wrdreg $0x0  }
0xa9: {  	s6 =	sshll.u32 s28, $0x1;
	[dreg:$0x2] =	wrdreg s4  }
0xaa: {  	[dreg:$0x3] =	wrdreg s6  }
0xab: {  	[dreg:$0x4] =	wrdreg $0xC0  }
0xac: {  	_ =	task [dreg:s8], $0x5FFFF  }
0xad: {  	[dreg:$0x1] =	wrdreg $0xFFFFFFFF  }
0xae: {  	[dreg:$0x0] =	wrdreg $0x60  }
0xaf: {  	[dreg:$0x2] =	wrdreg s24  }
0xb0: {  	[dreg:$0x3] =	wrdreg s2  }
0xb1: {  	[dreg:$0x4] =	wrdreg s18  }
0xb2: {  	[dreg:$0x5] =	wrdreg $0x9  }
0xb3: {  	_ =	task.clear_ibuf [dreg:s8], $0x6FFFF;
	_ =	strace $0x90000046  }
0xb4: {  	s29 =	simm.s32 $0x9;
	_ =	strace $0x80000048  }
0xb5: {  	_ =	swait.ge [sflag:s29], $0x1  }
0xb6: {  	[sflag:s29] =	ssyncadd.s32 $0xFFFFFFFF  }
0xb7: {  	_ =	strace $0x90000048  }
0xb8: {  	_ =	sfence  }
0xb9: {  	s30 =	sld [smem:$0x0];
	_ =	sdelay $0x2  }
0xba: {  	s31 =	sshll.u32 s1, $0xD;
	s1 =	sshrl.u32 s1, $0x2  }
0xbb: {  	s3 =	sand.u32 $0x4000, s31;
	s1 =	sadd.s32 s1, s30  }
0xbc: {  	s0 =	sor.u32 s3, s0;
	s1 =	sshll.u32 s1, $0x11  }
0xbd: {  	s0 =	sor.u32 s1, s0  }
0xbe: {  	s0 =	sadd.s32 $0x8F2B, s0  }
0xbf: {  	[sflag:s0] =	ssyncadd.remote.s32 $0x1  }
0xc0: {  	_ =	sfence.sel $0xFFFF  }
0xc1: {  	[dreg:$0x0] =	wrdreg $0xFFFFFFFF;
	(pc) =	sbr.abs _section_cstart, $3  }
0xc2: {  	[dreg:$0x1] =	wrdreg $0xFFFFFFFF  }
0xc3: {  	_ =	task.clear_ibuf [dreg:s8], $0x2FFFF;
	_ =	strace $0x9FFFFFFF  }
0xc4: {  	(tm) =	ssettm $0x7FFFFFFF  }
0xc5: {  	_ =	shalt  }
tec
execute0_lowered:
.L_overlay_start_1:
0x0: {  	(tag) =	ssettag $0x1  }
0x1: {  	s10 =	rddreg [dreg:$0x0]  }
0x2: {  	s1 =	rddreg [dreg:$0x1]  }
0x3: {  	s2 =	rddreg [dreg:$0x2]  }
0x4: {  	s0 =	rddreg [dreg:$0x3]  }
0x5: {  	s3 =	simm.s32 $0x0;
	s6 =	srdreg.scid;
	s15 =	simm.s32 $0x2  }
0x6: {  	s16 =	simm.s32 $0x2080;
	s17 =	simm.s32 $0x2940;
	s18 =	simm.s32 $0x80  }
0x7: {  	s19 =	simm.s32 $0x1;
	s20 =	simm.s32 $0x2100;
	s21 =	simm.s32 $0x40  }
0x8: {  	s22 =	simm.s32 $0x9C0;
	s23 =	simm.s32 $0x0;
	[smem:$0x7FF] =	sst s3  }
0x9: {  	s4 =	sadd.s32 $0x27ADC00, s10;
	s5 =	sadd.s32 $0x1800, s10;
	s7 =	sadd.s32 $0xCE00, s10  }
0xa: {  	s8 =	sadd.s32 $0x8000, s10;
	s11 =	sand.u32 $0x1, s6;
	s9 =	sadd.s32 $0x11E00, s10  }
0xb: {  	s6 =	stileid.u32;
	s10 =	sadd.s32 $0x11C00, s10;
	s12 =	ssub.s32 $0x2, s11  }
0xc: {  	s14 =	sshll.u32 s6, $0x8;
	s11 =	sshll.u32 s11, $0x7;
	s13 =	sshrl.u32 s12, $0x1  }
0xd: {  	_ =	strace $0x80000047;
	s11 =	sor.u32 s11, s14;
	s13 =	ssub.s32 s12, s13  }
0xe: {  	s14 =	simm.s32 $0x2900;
	s12 =	smul.u32 $0x9C0, s11;
	s13 =	smax.u32 s13, $0x1  }
.LBB2_1:
0xf: {  	[tilespmem:s14], [sflag:$0x2] =	stream.linear.gather [hbm4b:s1+s3], $0x40, $0x38;
	[tilespmem:$0x2980] =	vst v63  }
0x10: {  	_ =	swait.ge [sflag:s15], $0x40  }
0x11: {  	[sflag:s15] =	ssyncset.done $0x0  }
0x12: {  	[sflag:s15] =	ssyncadd.s32 $0xFFFFFFC0  }
0x13: {  	v0 =	vld [tilespmem:$0x2900]  }
0x14: {  	v1 =	vld [tilespmem:$0x2910]  }
0x15: {  	v2 =	vld [tilespmem:$0x2920]  }
0x16: {  	s24 =	simm.s32 $0x0;
	v3 =	vld [tilespmem:$0x2930]  }
.LBB2_2:
0x17: {  	s25 =	sshll.u32 s24, $0xC  }
0x18: {  	s25 =	sor.u32 s11, s25  }
0x19: {  	s25 =	sshrl.u32 s25, $0x3  }
0x1a: {  	s28 =	simm.s32 $0x0;
	s26 =	sadd.s32 s7, s25  }
0x1b: {  	[tilespmem:s28], [sflag:$0x2] =	stream.linear.gather [hbm4b:s26+s28], $0x80, $0x38;
	[tilespmem:$0x2980] =	vst v63  }
0x1c: {  	_ =	swait.ge [sflag:s15], $0x80  }
0x1d: {  	[sflag:s15] =	ssyncset.done $0x0  }
0x1e: {  	s25 =	sadd.s32 s8, s25;
	[sflag:s15] =	ssyncadd.s32 $0xFFFFFF80  }
0x1f: {  	[tilespmem:s16], [sflag:$0x2] =	stream.linear.gather [hbm4b:s25+s28], $0x80, $0x38;
	[tilespmem:$0x2980] =	vst v63  }
0x20: {  	_ =	swait.ge [sflag:s15], $0x80  }
0x21: {  	s26 =	sshll.u32 s24, $0x3;
	[sflag:s15] =	ssyncset.done $0x0  }
0x22: {  	s25 =	sadd.s32 s10, s26;
	[sflag:s15] =	ssyncadd.s32 $0xFFFFFF80  }
0x23: {  	[tilespmem:s17], [sflag:$0x2] =	stream.linear.gather [hbm4b:s25+s28], $0x40, $0x38;
	[tilespmem:$0x2980] =	vst v63  }
0x24: {  	_ =	swait.ge [sflag:s15], $0x40  }
0x25: {  	[sflag:s15] =	ssyncset.done $0x0  }
0x26: {  	[sflag:s15] =	ssyncadd.s32 $0xFFFFFFC0  }
0x27: {  	v4 =	vld [tilespmem:$0x0]  }
0x28: {  	s30 =	smul.u32 $0x186A0, s24;
	v5 =	vld [tilespmem:$0x10]  }
0x29: {  	v6 =	vld [tilespmem:$0x20]  }
0x2a: {  	p0 =	slt.u32 s24, $0xD;
	s26 =	sshll.u32 s24, $0x8;
	s25 =	sadd.s32 $0xFFEC29E0, s30;
	v7 =	vld [tilespmem:$0x30]  }
0x2b: {  	s25 =	smov.u32 @p0 s26;
	v8 =	vld [tilespmem:$0x40]  }
0x2c: {  	v9 =	vld [tilespmem:$0x50];
	v4 =	vadd.s32 s25, v4  }
0x2d: {  	[tilespmem:$0x0] =	vst v4;
	v4 =	vadd.s32 s25, v5;
	v5 =	vld [tilespmem:$0x60]  }
0x2e: {  	[tilespmem:$0x10] =	vst v4;
	v4 =	vadd.s32 s25, v6;
	v6 =	vld [tilespmem:$0x70]  }
0x2f: {  	[tilespmem:$0x20] =	vst v4;
	v4 =	vadd.s32 s25, v7  }
0x30: {  	[tilespmem:$0x30] =	vst v4;
	v4 =	vadd.s32 s25, v8  }
0x31: {  	[tilespmem:$0x40] =	vst v4;
	v4 =	vadd.s32 s25, v9  }
0x32: {  	[tilespmem:$0x50] =	vst v4;
	v4 =	vadd.s32 s25, v5  }
0x33: {  	[tilespmem:$0x60] =	vst v4;
	v4 =	vadd.s32 s25, v6;
	s25 =	smov.u32 s4  }
0x34: {  	[tilespmem:$0x70] =	vst v4;
	s25 =	smov.u32 @p0 s5  }
0x35: {  	[tilespmem:s18], [sflag:$0x1] =	stream.indirect.gather [hbm4b:s25+s18], $0x40, s28, s18, $0xb8;
	[tilespmem:$0x2980] =	vst v63  }
0x36: {  	_ =	swait.ge [sflag:s19], $0x2000  }
0x37: {  	[sflag:s19] =	ssyncset.done $0x0  }
0x38: {  	[sflag:s19] =	ssyncadd.s32 $0xFFFFE000  }
0x39: {  	[tilespmem:s20], [sflag:$0x1] =	stream.indirect.gather [hbm4b:s9+s18], $0x10, s16, s18, $0xb8;
	[tilespmem:$0x2980] =	vst v63  }
0x3a: {  	_ =	swait.ge [sflag:s19], $0x800  }
0x3b: {  	[sflag:s19] =	ssyncset.done $0x0  }
0x3c: {  	[sflag:s19] =	ssyncadd.s32 $0xFFFFF800  }
0x3d: {  	v4 =	vld [tilespmem:$0x2940]  }
0x3e: {  	s25 =	simm.s32 $0xA0;
	v5 =	vld [tilespmem:$0x2960]  }
0x3f: {  	v8 =	vld [tilespmem:s25+$0x0]  }
0x40: {  	v9 =	vld [tilespmem:s25+$0xFFFFFFE0]  }
0x41: {  	s31 =	simm.s32 $0x0;
	v10 =	vld [tilespmem:s25+$0xFFFFFFF0]  }
0x42: {  	v11 =	vld [tilespmem:s31+$0x2100]  }
0x43: {  	v6 =	vld [tilespmem:$0x2950]  }
0x44: {  	v12 =	vld [tilespmem:s25+$0x10];
	_ =	sdelay $0x1  }
0x45: {  	v7 =	vld [tilespmem:$0x2970];
	v13 =	vsub.f32 v2, v8;
	v14 =	vsub.f32 v0, v9  }
0x46: {  	v15 =	vsub.f32 v1, v10;
	v8 =	vadd.f32 v8, v5  }
0x47: {  	v9 =	vadd.f32 v9, v4;
	v13 =	vmul.f32 v13, v11;
	v14 =	vmul.f32 v14, v11  }
0x48: {  	v10 =	vadd.f32 v10, v6;
	v16 =	vsub.f32 v3, v12;
	v15 =	vmul.f32 v15, v11  }
0x49: {  	v13 =	vadd.f32 v13, v8;
	v9 =	vadd.f32 v14, v9  }
0x4a: {  	v11 =	vmul.f32 v16, v11;
	v8 =	vadd.f32 v15, v10;
	v10 =	vadd.f32 v12, v7  }
0x4b: {  	s29 =	simm.s32 $0xE0;
	s26 =	sshll.u32 s24, $0x6;
	s28 =	simm.s32 $0x40;
	[tilespmem:s25+$0x0] =	vst v13  }
.LBB2_3:
0x4c: {  	v12 =	vld [tilespmem:s29+$0x0];
	p0 =	sne.s32 s28, $0x1FC0;
	[tilespmem:s25+$0xFFFFFFE0] =	vst v9;
	v9 =	vadd.f32 v11, v10;
	s30 =	smov.u32 s28;
	s28 =	sadd.s32 $0x40, s28  }
0x4d: {  	s30 =	sshra.s32 s30, $0x2;
	v10 =	vld [tilespmem:s29+$0xFFFFFFE0];
	[tilespmem:s25+$0xFFFFFFF0] =	vst v8  }
0x4e: {  	v8 =	vld [tilespmem:s29+$0xFFFFFFF0];
	[tilespmem:s25+$0x10] =	vst v9;
	s25 =	smov.u32 s29  }
0x4f: {  	v11 =	vld [tilespmem:s30+$0x2100]  }
0x50: {  	v13 =	vld [tilespmem:s29+$0x10]  }
0x51: {  	v9 =	vsub.f32 v2, v12  }
0x52: {  	v14 =	vsub.f32 v0, v10  }
0x53: {  	v12 =	vadd.f32 v12, v5;
	v15 =	vsub.f32 v1, v8  }
.Ltmp0:
0x54: {  	v10 =	vadd.f32 v10, v4;
	v14 =	vmul.f32 v14, v11;
	v16 =	vmul.f32 v9, v11;
	(pc) =	sbr.rel @p0 .LBB2_3-.Ltmp0, $4  }
0x55: {  	v8 =	vadd.f32 v8, v6;
	v15 =	vmul.f32 v15, v11;
	v17 =	vsub.f32 v3, v13  }
0x56: {  	v9 =	vadd.f32 v14, v10;
	v12 =	vadd.f32 v16, v12  }
0x57: {  	v10 =	vadd.f32 v13, v7;
	v8 =	vadd.f32 v15, v8;
	v11 =	vmul.f32 v17, v11  }
0x58: {  	s29 =	sadd.s32 $0x40, s29;
	[tilespmem:s25+$0x0] =	vst v12  }
0x59: {  	[tilespmem:s25+$0xFFFFFFE0] =	vst v9;
	v4 =	vadd.f32 v11, v10;
	s26 =	sadd.s32 s12, s26;
	s24 =	sadd.s32 $0x1, s24  }
0x5a: {  	[tilespmem:s25+$0xFFFFFFF0] =	vst v8;
	s26 =	sshrl.u32 s26, $0x3;
	p0 =	sne.s32 s24, $0x27  }
.Ltmp1:
0x5b: {  	[tilespmem:s25+$0x10] =	vst v4;
	s31 =	sadd.s32 s2, s26;
	(pc) =	sbr.rel @p0 .LBB2_2-.Ltmp1, $4  }
0x5c: {  	[hbm4b:s31+s21] =	stream.strided.scatter [tilespmem:s18], [sflag:$0x2], $0x2000, s22, s21, $0x38;
	[tilespmem:$0x2980] =	vst v63  }
0x5d: {  	_ =	swait.ge [sflag:s15], $0x2000  }
0x5e: {  	[sflag:s15] =	ssyncset.done $0x0  }
0x5f: {  	[sflag:s15] =	ssyncadd.s32 $0xFFFFE000  }
0x60: {  	s23 =	sadd.s32 $0x1, s23  }
0x61: {  	p0 =	sne.s32 s23, s13  }
.Ltmp2:
0x62: {  	_ = 	snop;
	(pc) =	sbr.rel @p0 .LBB2_1-.Ltmp2, $1  }
0x63: {  	_ =	sdelay $0x3  }
0x64: {  	_ =	sfence.sel $0x180000  }
0x65: {  	[bflag:$0x0] =	sbarrier.arrive $0xFFFF  }
0x66: {  	p0 =	sne.s32 s6, $0x0;
	_ =	strace $0x90000047  }
0x67: {  	s0 =	sadd.s32 @!p0 $0x100000, s0;
	[bflag:$0x2] =	sbarrier.arrive $0xFFFF  }
0x68: {  	[sflag:s0] =	ssyncadd.tile.s32 @!p0 $0x1;
	_ =	shalt  }
.Lfunc_end2:
_tile_overlayer_lowered:
.L_overlay_start_2:
0x69: {  	(tag) =	ssettag $0x2  }
0x6a: {  	s0 =	rddreg [dreg:$0x0];
	s2 =	stileid.u32  }
0x6b: {  	s1 =	rddreg [dreg:$0x1];
	p0 =	sne.s32 s2, $0x0  }
0x6c: {  	s3 =	rddreg [dreg:$0x2];
	[bflag:$0x3] =	sbarrier.arrive $0xFFFF;
	s2 =	simm.s32 @!p0 $0x1C02  }
0x6d: {  	[timem:s3], [sflag:s2] =	dma.local @!p0 [hbm:s0], s1  }
0x6e: {  	s0 =	simm.s32 @!p0 $0x2  }
0x6f: {  	_ =	swait.ge @!p0 [sflag:s0], s1  }
0x70: {  	s1 =	ssub.s32 @!p0 $0x0, s1;
	[sflag:s0] =	ssyncset.done @!p0 $0x0  }
0x71: {  	[sflag:s0] =	ssyncadd.s32 @!p0 s1  }
0x72: {  	[bflag:$0x3] =	sbarrier.arrive $0xFFFF  }
0x73: {  	_ =	shalt  }

// kernel: sparse-core-data-format-call.cloned.1.call-start
scs
called_computation_lowered:
.L_overlay_start_0:
0x0: {  	s2 =	sld [smem:$0x3FD9]  }
0x1: {  	s3 =	sld [smem:$0x3FFE];
	_ =	sdelay $0x1  }
0x2: {  	s1 =	srdreg.scid  }
0x3: {  	s0 =	sand.u32 $0x1, s1  }
0x4: {  	s18 =	sshll.u32 s0, $0xA;
	s2 =	sadd.s32 s3, s2  }
0x5: {  	s2 =	sadd.s32 s2, s18  }
0x6: {  	[smem:$0x3FBF] =	sst s2  }
0x7: {  	_ = 	snop  }
0x8: {  	s2 =	sld [smem:$0x3FD0];
	(tm) =	ssettm $0x1  }
0x9: {  	s19 =	sld [smem:$0x3FFB];
	_ =	sdelay $0x3  }
0xa: {  	_ =	strace s19  }
0xb: {  	s3 =	sld [smem:$0x3FFC];
	_ =	sdelay $0x3  }
0xc: {  	_ =	strace s3  }
0xd: {  	s3 =	sld [smem:$0x3FFD];
	_ =	sdelay $0x3  }
0xe: {  	_ =	strace s3  }
0xf: {  	_ =	strace $0x8FFFFFFF  }
0x10: {  	s20 =	sld [smem:$0x3FDB];
	_ =	sdelay $0x1  }
0x11: {  	s4 =	simm.s32 $_scs_section_size  }
0x12: {  	s5 =	simm.s32 $_size__tile_overlayer_lowered;
	s6 =	simm.s32 $_tile_overlayer_lowered  }
0x13: {  	s23 =	simm.s32 $0x1BFF;
	s22 =	sshll.u32 s6, $0x1;
	s3 =	sadd.s32 s4, s20  }
0x14: {  	s7 =	simm.s32 $0x0;
	s21 =	sshll.u32 s5, $0x1;
	s5 =	sadd.s32 s22, s3  }
0x15: {  	[timem:s7], [sflag:s23] =	dma.local [hbm:s5], s21  }
0x16: {  	_ =	swait.ge [sflag:s23], s21  }
0x17: {  	s4 =	ssub.s32 $0x0, s21;
	[sflag:s23] =	ssyncset.done $0x0  }
0x18: {  	[sflag:s23] =	ssyncadd.s32 s4;
	_ =	sdelay $0x1  }
0x19: {  	s24 =	simm.s32 $0x1B8B  }
0x1a: {  	_ =	swait.ge [sflag:s24], $0x1  }
0x1b: {  	[sflag:s24] =	ssyncset.done $0x0  }
0x1c: {  	s26 =	simm.s32 $0x1B8E;
	s25 =	sld [smem:$0x3FFE];
	[sflag:s24] =	ssyncadd.s32 $0xFFFFFFFF  }
0x1d: {  	s27 =	simm.s32 $execute0_lowered;
	[smem:$0x3FD2] =	sst s26  }
0x1e: {  	s5 =	sshll.u32 s27, $0x1;
	_ =	strace $0x80000049;
	[dreg:$0x1] =	wrdreg $0xFFFFFFFF  }
0x1f: {  	s28 =	simm.s32 $_size_execute0_lowered;
	s3 =	sadd.s32 s3, s5;
	[dreg:$0x0] =	wrdreg $0x0  }
0x20: {  	s5 =	sshll.u32 s28, $0x1;
	[dreg:$0x2] =	wrdreg s3  }
0x21: {  	[dreg:$0x3] =	wrdreg s5  }
0x22: {  	[dreg:$0x4] =	wrdreg $0xC0  }
0x23: {  	_ =	task [dreg:s7], $0x5FFFF  }
0x24: {  	[dreg:$0x1] =	wrdreg $0xFFFFFFFF  }
0x25: {  	[dreg:$0x0] =	wrdreg $0x60  }
0x26: {  	[dreg:$0x2] =	wrdreg s25  }
0x27: {  	[dreg:$0x3] =	wrdreg s2  }
0x28: {  	[dreg:$0x4] =	wrdreg $0x9  }
0x29: {  	_ =	task.clear_ibuf [dreg:s7], $0x5FFFF;
	_ =	strace $0x90000049  }
0x2a: {  	s29 =	simm.s32 $0x9;
	_ =	strace $0x8000004B  }
0x2b: {  	_ =	swait.ge [sflag:s29], $0x1  }
0x2c: {  	[sflag:s29] =	ssyncadd.s32 $0xFFFFFFFF  }
0x2d: {  	_ =	strace $0x9000004B  }
0x2e: {  	_ =	sfence  }
0x2f: {  	s30 =	sld [smem:$0x0];
	_ =	sdelay $0x2  }
0x30: {  	s31 =	sshll.u32 s1, $0xD;
	s1 =	sshrl.u32 s1, $0x2  }
0x31: {  	s3 =	sand.u32 $0x4000, s31;
	s1 =	sadd.s32 s1, s30  }
0x32: {  	s0 =	sor.u32 s3, s0;
	s1 =	sshll.u32 s1, $0x11  }
0x33: {  	s0 =	sor.u32 s1, s0  }
0x34: {  	s0 =	sadd.s32 $0x8F2B, s0  }
0x35: {  	[sflag:s0] =	ssyncadd.remote.s32 $0x1  }
0x36: {  	_ =	sfence.sel $0xFFFF  }
0x37: {  	[dreg:$0x0] =	wrdreg $0xFFFFFFFF;
	(pc) =	sbr.abs _section_cstart, $3  }
0x38: {  	[dreg:$0x1] =	wrdreg $0xFFFFFFFF  }
0x39: {  	_ =	task.clear_ibuf [dreg:s7], $0x2FFFF;
	_ =	strace $0x9FFFFFFF  }
0x3a: {  	(tm) =	ssettm $0x7FFFFFFF  }
0x3b: {  	_ =	shalt  }
tec
execute0_lowered:
.L_overlay_start_1:
0x0: {  	(tag) =	ssettag $0x1  }
0x1: {  	s0 =	srdreg.scid  }
0x2: {  	s1 =	sshll.u32 s0, $0x4  }
0x3: {  	s0 =	stileid.u32;
	s1 =	sand.u32 $0x10, s1  }
0x4: {  	s1 =	sor.u32 s0, s1  }
0x5: {  	s6 =	rddreg [dreg:$0x0];
	s4 =	simm.s32 $0x1;
	s2 =	sshll.u32 s1, $0x7  }
0x6: {  	s7 =	simm.s32 $0x2;
	s12 =	simm.s32 $0x0;
	s1 =	ssub.s32 $0x1000, s2  }
0x7: {  	s8 =	simm.s32 $0x8000;
	s13 =	simm.s32 $0x0;
	s3 =	sand.u32 $0xF80, s1  }
0x8: {  	s9 =	simm.s32 $0x0;
	s5 =	sshrl.u32 s1, $0xC;
	p0 =	sne.s32 s3, $0x0  }
.Ltmp0:
0x9: {  	s1 =	rddreg [dreg:$0x2];
	s4 =	simm.s32 @!p0 $0x0;
	(pc) =	sbr.rel .LBB1_1-.Ltmp0, $4  }
0xa: {  	s11 =	simm.s32 $0x0;
	s3 =	rddreg [dreg:$0x1];
	s5 =	sadd.s32 s4, s5  }
0xb: {  	_ =	strace $0x8000004A;
	s4 =	simm.s32 $0x1;
	s5 =	smul.u32 $0x27, s5  }
0xc: {  	s6 =	sadd.s32 $0x1800, s6;
	s10 =	smov.u32 s2;
	[sflag:s4] =	ssyncpa.u1 $0x0  }
0xd: {  	p0 =	por $0x0, $0x0;
	[sflag:s7] =	ssyncpa.u1 $0x0;
	s7 =	sadd.s32 $0x1, s5  }
.LBB1_4:
0xe: {  	s16 =	sshll.u32 s13, $0x3;
	s17 =	sand.u32 $0x78, s13  }
0xf: {  	s30 =	sand.u32 $0x7E00, s13;
	s12 =	sshll.u32 s12, $0xF;
	s16 =	sand.u32 $0xC00, s16  }
0x10: {  	[tilespmem:s15+$0x810 ss:$0x81] =	vst.msk $0xffff, v2;
	s31 =	sand.u32 $0x7, s13;
	s16 =	sor.u32 s17, s16;
	s17 =	sadd.s32 s3, s30  }
0x11: {  	[tilespmem:s15+$0x1020 ss:$0x81] =	vst.msk $0xffff, v0;
	s13 =	sshll.u32 s31, $0x12;
	s12 =	sadd.s32 s12, s17;
	s16 =	sshrl.u32 s16, $0x3  }
0x12: {  	[tilespmem:s15+$0x0 ss:$0x81] =	vst.msk $0xffff, v1;
	s13 =	sor.u32 $0x400, s13;
	s12 =	sadd.s32 s16, s12  }
0x13: {  	[hbm4b:s12+s13] =	stream.strided.scatter [tilespmem:s14], [sflag:$0x2], $0x2000, s8, s13, $0x20;
	[tilespmem:$0x8080] =	vst v63  }
.LBB1_5:
0x14: {  	s14 =	sadd.s32 $0x1, s9  }
0x15: {  	s12 =	sadd.s32 $0x1000, s10;
	s16 =	smov.u32 s10;
	p2 =	sgt.s32 s14, $0x26  }
0x16: {  	s16 =	smov.u32 @p2 s12  }
0x17: {  	s14 =	simm.s32 @p2 $0x0;
	p2 =	sgt.s32 s16, $0xFFF  }
0x18: {  	s16 =	smov.u32 @p2 s2;
	p2 =	sne.s32 s11, s7  }
.Ltmp1:
0x19: {  	p1 =	slt.u32 s11, $0x2;
	(pc) =	sbr.rel @!p2 .LBB1_6-.Ltmp1, $4  }
0x1a: {  	s15 =	simm.s32 @!p1 $0x2  }
0x1b: {  	s13 =	smov.u32 s10;
	p0 =	por !p0, !p0;
	_ =	swait.ge @!p1 [sflag:s15], $0x2000  }
0x1c: {  	s12 =	smov.u32 s9;
	[sflag:s15] =	ssyncset.done @!p1 $0x0;
	s9 =	smov.u32 s14  }
0x1d: {  	s11 =	sadd.s32 $0x1, s11;
	[sflag:s15] =	ssyncadd.s32 @!p1 $0xFFFFE000;
	s10 =	smov.u32 s16  }
.LBB1_1:
0x1e: {  	p1 =	sge.u32 s11, s5  }
0x1f: {  	s14 =	sand.u32 @!p1 $0x1FFFFFF, s9  }
0x20: {  	s15 =	smulhi.u32 @!p1 $0x6666667, s14;
	_ =	sdelay $0x1  }
0x21: {  	s15 =	smul.u32 @!p1 $0x28, s15  }
0x22: {  	s16 =	sxor.u32 @!p1 $0xFFFFFFFF, s11;
	s17 =	smul.u32 @!p1 $0x280, s10  }
0x23: {  	s31 =	sadd.s32 $0xFFFFFFFF, s11;
	s16 =	sshll.u32 @!p1 s16, $0xD;
	s14 =	ssub.s32 @!p1 s14, s15  }
0x24: {  	s15 =	sand.u32 @!p1 $0x2000, s16;
	s16 =	sadd.s32 @!p1 s6, s17;
	s14 =	sshll.u32 @!p1 s14, $0x4  }
0x25: {  	s17 =	simm.s32 @!p1 $0x1400;
	s14 =	sadd.s32 @!p1 s14, s16;
	s16 =	simm.s32 @!p1 $0x40  }
0x26: {  	[tilespmem:s15], [sflag:$0x1] =	stream.strided.gather @!p1 [hbm4b:s14+s16], $0x2000, s17, s16, $0x38;
	[tilespmem:$0x8080] =	vst v63  }
0x27: {  	p1 =	sge.u32 s31, s5  }
.Ltmp2:
0x28: {  	_ = 	snop;
	(pc) =	sbr.rel @p1 .LBB1_5-.Ltmp2, $1  }
0x29: {  	_ =	sdelay $0x3  }
0x2a: {  	s14 =	simm.s32 $0x1  }
0x2b: {  	_ =	swait.ge [sflag:s4], $0x2000;
	s14 =	simm.s32 @!p0 $0x0  }
0x2c: {  	[sflag:s4] =	ssyncset.done $0x0;
	s15 =	sshll.u32 s14, $0xD  }
0x2d: {  	[sflag:s4] =	ssyncadd.s32 $0xFFFFE000;
	s18 =	sor.u32 $0x20, s15  }
0x2e: {  	s14 =	smul.u32 $0x8100, s14;
	v3 =	vld [tilespmem:s18+$0x10]  }
0x2f: {  	s30 =	sand.u32 $0x1, s11;
	v2 =	vld [tilespmem:s18+$0xFFFFFFF0]  }
0x30: {  	s15 =	smul.u32 $0x8100, s30;
	s14 =	sshrl.u32 s14, $0x2;
	v0 =	vld [tilespmem:s18+$0x0]  }
0x31: {  	v1 =	vld [tilespmem:s18+$0xFFFFFFE0];
	s16 =	sor.u32 $0x4000, s14  }
0x32: {  	s31 =	sshrl.u32 s15, $0x2;
	s15 =	sadd.s32 $0x0, s16  }
0x33: {  	s17 =	simm.s32 $0x4;
	s18 =	sadd.s32 $0x40, s18;
	s14 =	sor.u32 $0x4000, s31;
	[tilespmem:s15+$0x1830 ss:$0x81] =	vst.msk $0xffff, v3  }
.LBB1_3:
0x34: {  	v3 =	vld [tilespmem:s18+$0x10];
	p1 =	sne.s32 s17, $0x1FC;
	[tilespmem:s15+$0x810 ss:$0x81] =	vst.msk $0xffff, v2;
	s19 =	smov.u32 s17;
	s17 =	sadd.s32 $0x4, s17  }
.Ltmp3:
0x35: {  	v2 =	vld [tilespmem:s18+$0xFFFFFFF0];
	[tilespmem:s15+$0x1020 ss:$0x81] =	vst.msk $0xffff, v0;
	(pc) =	sbr.rel @p1 .LBB1_3-.Ltmp3, $4  }
0x36: {  	v0 =	vld [tilespmem:s18+$0x0];
	[tilespmem:s15+$0x0 ss:$0x81] =	vst.msk $0xffff, v1  }
0x37: {  	s15 =	sshra.s32 s19, $0x2;
	v1 =	vld [tilespmem:s18+$0xFFFFFFE0]  }
0x38: {  	s15 =	sadd.s32 s15, s16  }
0x39: {  	s18 =	sadd.s32 $0x40, s18;
	[tilespmem:s15+$0x1830 ss:$0x81] =	vst.msk $0xffff, v3  }
.Ltmp4:
0x3a: {  	_ = 	snop;
	(pc) =	sbr.rel .LBB1_4-.Ltmp4, $1  }
0x3b: {  	_ =	sdelay $0x3  }
.LBB1_6:
0x3c: {  	_ =	sfence.sel $0x180000  }
0x3d: {  	s2 =	simm.s32 $0x1;
	[bflag:$0x0] =	sbarrier.arrive $0xFFFF  }
0x3e: {  	s31 =	simm.s32 $0x2;
	[sflag:s2] =	ssyncpa.u1 $0x1  }
0x3f: {  	[sflag:s31] =	ssyncpa.u1 $0x1  }
0x40: {  	p0 =	sne.s32 s0, $0x0;
	_ =	strace $0x9000004A  }
0x41: {  	s0 =	sadd.s32 @!p0 $0x100000, s1;
	[bflag:$0x2] =	sbarrier.arrive $0xFFFF  }
0x42: {  	[sflag:s0] =	ssyncadd.tile.s32 @!p0 $0x1;
	_ =	shalt  }
.Lfunc_end1:
_tile_overlayer_lowered:
.L_overlay_start_2:
0x43: {  	(tag) =	ssettag $0x2  }
0x44: {  	s0 =	rddreg [dreg:$0x0];
	s2 =	stileid.u32  }
0x45: {  	s1 =	rddreg [dreg:$0x1];
	p0 =	sne.s32 s2, $0x0  }
0x46: {  	s3 =	rddreg [dreg:$0x2];
	[bflag:$0x3] =	sbarrier.arrive $0xFFFF;
	s2 =	simm.s32 @!p0 $0x1C01  }
0x47: {  	[timem:s3], [sflag:s2] =	dma.local @!p0 [hbm:s0], s1  }
0x48: {  	s0 =	simm.s32 @!p0 $0x1  }
0x49: {  	_ =	swait.ge @!p0 [sflag:s0], s1  }
0x4a: {  	s1 =	ssub.s32 @!p0 $0x0, s1;
	[sflag:s0] =	ssyncset.done @!p0 $0x0  }
0x4b: {  	[sflag:s0] =	ssyncadd.s32 @!p0 s1  }
0x4c: {  	[bflag:$0x3] =	sbarrier.arrive $0xFFFF  }
0x4d: {  	_ =	shalt  }

</sc_bundles>
